<compile_context>
chip_gen: v7x
topology: tpu7x:2x2x1
jax: 0.10.2.dev20260603
libtpu: 0.0.44.dev20260713+nightly
codegen_flags: <defaults>
</compile_context>

<pallas_src>
import jax
import jax.numpy as jnp
from jax import lax
from jax.experimental import pallas as pl
from jax.experimental.pallas import tpu as pltpu
from jax.experimental.pallas import tpu_sc as plsc

_N = 100000
_VOCAB = 94
_DIM = 128
_C = 128
_NCHUNK = -(-_N // _C)
_NBUF = 3

_info = plsc.get_sparse_core_info()
_NCORES = _info.num_cores
_NSUB = _info.num_subcores
_NW = _NCORES * _NSUB
_MAXT = -(-_NCHUNK // _NW)
_TLOOP = -(-_MAXT // _NBUF) * _NBUF


def _body(idx_hbm, table_hbm, out_hbm, table_sh, idx_v, rows_sh, *sems):
    sid = lax.axis_index("s")
    wid = lax.axis_index("s") * _NCORES + lax.axis_index("c")
    rows_v = rows_sh.at[sid]
    isems = list(sems[:_NBUF])
    gsems = list(sems[_NBUF:2 * _NBUF])
    wsems = list(sems[2 * _NBUF:])

    @pl.when(lax.axis_index("s") == 0)
    def _():
        pltpu.sync_copy(table_hbm, table_sh)

    plsc.subcore_barrier()

    def base_of(t):
        cid = wid + t * _NW
        return lax.min(cid * _C, _N - _C)

    def active(t):
        return (wid + t * _NW) < _NCHUNK

    def start_idx(t, b):
        pltpu.async_copy(idx_hbm.at[pl.ds(base_of(t), _C)], idx_v.at[b], isems[b])

    for b in range(_NBUF):
        start_idx(b, b)

    @pl.loop(0, _TLOOP, step=_NBUF)
    def _(g):
        for b in range(_NBUF):
            t = g + b

            @pl.when(active(t))
            def _():
                pltpu.make_async_copy(
                    idx_hbm.at[pl.ds(base_of(t), _C)], idx_v.at[b], isems[b]
                ).wait()

            @pl.when(active(t) & (t >= _NBUF))
            def _():
                pltpu.make_async_copy(
                    rows_v.at[b], out_hbm.at[pl.ds(base_of(t - _NBUF), _C)], wsems[b]
                ).wait()

            @pl.when(active(t))
            def _():
                pltpu.async_copy(
                    rows_v.at[b], out_hbm.at[pl.ds(base_of(t), _C)], wsems[b]
                )

            @pl.when(active(t + _NBUF))
            def _():
                start_idx(t + _NBUF, b)

    for t in range(_MAXT - _NBUF - 1, _MAXT):
        b = t % _NBUF

        @pl.when(active(t) & ~active(t + _NBUF))
        def _():
            pltpu.make_async_copy(
                rows_v.at[b], out_hbm.at[pl.ds(base_of(t), _C)], wsems[b]
            ).wait()


def kernel(atomic_numbers, embedding_weight):
    idx = atomic_numbers.astype(jnp.int32)
    run = pl.kernel(
        _body,
        out_type=jax.ShapeDtypeStruct((_N, _DIM), jnp.float32),
        mesh=plsc.VectorSubcoreMesh(core_axis_name="c", subcore_axis_name="s"),
        scratch_types=[
            pltpu.VMEM_SHARED((_VOCAB, _DIM), jnp.float32),
            pltpu.VMEM((_NBUF, _C), jnp.int32),
            pltpu.VMEM_SHARED((_NSUB, _NBUF, _C, _DIM), jnp.float32),
        ]
        + [pltpu.SemaphoreType.DMA] * (3 * _NBUF),
    )
    return run(idx, embedding_weight)

# --- scband reference (transcript-rebuilt; emitter-appended) ---
"""Pipeline reference for scband-atom-embedding-57724360458885 (READ-ONLY COPY).

The authoritative reference and input builder live on the scoring server;
editing this copy changes nothing except your own understanding.
"""

import jax, jax.numpy as jnp
import numpy as np

N_ATOMS = 100000
VOCAB = 94
DIM = 128

def setup_inputs(seed: int = 0) -> dict:
    key = jax.random.key(seed)
    k_idx, k_emb = jax.random.split(key)
    atomic_numbers = jax.random.randint(k_idx, (N_ATOMS,), 0, VOCAB, dtype=jnp.int64 if jax.config.jax_enable_x64 else jnp.int32)
    # learnable embedding table, matches nn.Embedding default init N(0, 1)
    embedding_weight = jax.random.normal(k_emb, (VOCAB, DIM), dtype=jnp.float32)
    return {"atomic_numbers": atomic_numbers, "embedding_weight": embedding_weight}

def reference(atomic_numbers, embedding_weight):
    # nn.Embedding forward: row gather from the table
    return jnp.take(embedding_weight, atomic_numbers, axis=0)

if __name__ == "__main__":
    import jax
    _d = setup_inputs()
    print(jax.jit(kernel)(*tuple(_d.values())))

</pallas_src>

<mosaic_0001>
#map = affine_map<(d0, d1) -> (0)>
#map1 = affine_map<(d0, d1) -> (0, 0)>
module attributes {stable_mosaic.version = 14 : i64} {
  func.func @_body(%arg0: i32, %arg1: i32, %arg2: memref<100000xi32, #tpu.memory_space<hbm>>, %arg3: memref<94x128xf32, #tpu.memory_space<hbm>>, %arg4: memref<100000x128xf32, #tpu.memory_space<hbm>>, %arg5: memref<94x128xf32, #tpu.memory_space<vmem_shared>>, %arg6: memref<3x128xi32, #tpu.memory_space<vmem>>, %arg7: memref<16x3x128x128xf32, #tpu.memory_space<vmem_shared>>, %arg8: memref<!tpu.dma_semaphore, #tpu.memory_space<semaphore_mem>>, %arg9: memref<!tpu.dma_semaphore, #tpu.memory_space<semaphore_mem>>, %arg10: memref<!tpu.dma_semaphore, #tpu.memory_space<semaphore_mem>>, %arg11: memref<!tpu.dma_semaphore, #tpu.memory_space<semaphore_mem>>, %arg12: memref<!tpu.dma_semaphore, #tpu.memory_space<semaphore_mem>>, %arg13: memref<!tpu.dma_semaphore, #tpu.memory_space<semaphore_mem>>, %arg14: memref<!tpu.dma_semaphore, #tpu.memory_space<semaphore_mem>>, %arg15: memref<!tpu.dma_semaphore, #tpu.memory_space<semaphore_mem>>, %arg16: memref<!tpu.dma_semaphore, #tpu.memory_space<semaphore_mem>>) attributes {dimension_semantics = [#tpu.dimension_semantics<core_parallel>, #tpu.dimension_semantics<subcore_parallel>], iteration_bounds = array<i64: 2, 16>, scalar_prefetch = 0 : i64, scratch_operands = 12 : i64, tpu.core_type = #tpu.core_type<sc_vector_subcore>, window_params = [{transform_indices = #map}, {transform_indices = #map1}, {transform_indices = #map1}]} {
    %mul3A = arith.constant 2 : i32
    %mul3A_0 = arith.muli %arg1, %mul3A : i32
    %add3A = arith.addi %mul3A_0, %arg0 : i32
    %eq3A = arith.constant 0 : i32
    %eq3A_1 = arith.cmpi eq, %arg1, %eq3A : i32
    %convert_element_type3A = arith.extui %eq3A_1 : i1 to i32
    %cond3A = arith.constant 0 : i32
    %cond3A_2 = arith.cmpi ne, %convert_element_type3A, %cond3A : i32
    scf.if %cond3A_2 {
      "tpu.region"() ({
        %run_scoped3A = tpu.sem_alloc : memref<!tpu.dma_semaphore, #tpu.memory_space<semaphore_mem>>
        tpu.enqueue_dma source(%arg3 : memref<94x128xf32, #tpu.memory_space<hbm>>) target(%arg5 : memref<94x128xf32, #tpu.memory_space<vmem_shared>>) target_semaphore(%run_scoped3A : memref<!tpu.dma_semaphore, #tpu.memory_space<semaphore_mem>>)
        tpu.wait_dma2 semaphore(%run_scoped3A : memref<!tpu.dma_semaphore, #tpu.memory_space<semaphore_mem>>) src(%arg3 : memref<94x128xf32, #tpu.memory_space<hbm>>) dst(%arg5 : memref<94x128xf32, #tpu.memory_space<vmem_shared>>)
        tpu.yield
      }) : () -> ()
    } else {
    }
    %barrier3A = arith.constant 0 : index
    tpu.barrier barrier_id(%barrier3A)
    %add3A_3 = arith.constant 0 : i32
    %add3A_4 = arith.addi %add3A, %add3A_3 : i32
    %mul3A_5 = arith.constant 128 : i32
    %mul3A_6 = arith.muli %add3A_4, %mul3A_5 : i32
    %min3A = arith.constant 99872 : i32
    %min3A_7 = arith.minsi %mul3A_6, %min3A : i32
    %dma_start3A = arith.constant 0 : i32
    %dma_start3A_8 = arith.constant 0 : i32
    %dma_start3A_9 = tpu.memref_slice %arg6[%dma_start3A, %dma_start3A_8] : memref<3x128xi32, #tpu.memory_space<vmem>> -> memref<1x128xi32, #tpu.memory_space<vmem>>
    %dma_start3A_10 = tpu.memref_squeeze %dma_start3A_9 : memref<1x128xi32, #tpu.memory_space<vmem>> -> memref<128xi32, #tpu.memory_space<vmem>>
    %dma_start3A_11 = tpu.memref_slice %arg2[%min3A_7] : memref<100000xi32, #tpu.memory_space<hbm>> -> memref<128xi32, #tpu.memory_space<hbm>>
    %dma_start3A_12 = arith.constant 0 : i32
    %dma_start3A_13 = tpu.memref_slice %arg6[%dma_start3A, %dma_start3A_12] : memref<3x128xi32, #tpu.memory_space<vmem>> -> memref<1x128xi32, #tpu.memory_space<vmem>>
    %dma_start3A_14 = tpu.memref_squeeze %dma_start3A_13 : memref<1x128xi32, #tpu.memory_space<vmem>> -> memref<128xi32, #tpu.memory_space<vmem>>
    %dma_start3A_15 = tpu.memref_slice %arg2[%min3A_7] : memref<100000xi32, #tpu.memory_space<hbm>> -> memref<128xi32, #tpu.memory_space<hbm>>
    tpu.enqueue_dma source(%dma_start3A_15 : memref<128xi32, #tpu.memory_space<hbm>>) target(%dma_start3A_14 : memref<128xi32, #tpu.memory_space<vmem>>) target_semaphore(%arg8 : memref<!tpu.dma_semaphore, #tpu.memory_space<semaphore_mem>>)
    %add3A_16 = arith.constant 32 : i32
    %add3A_17 = arith.addi %add3A, %add3A_16 : i32
    %mul3A_18 = arith.constant 128 : i32
    %mul3A_19 = arith.muli %add3A_17, %mul3A_18 : i32
    %min3A_20 = arith.constant 99872 : i32
    %min3A_21 = arith.minsi %mul3A_19, %min3A_20 : i32
    %dma_start3A_22 = arith.constant 1 : i32
    %dma_start3A_23 = arith.constant 0 : i32
    %dma_start3A_24 = tpu.memref_slice %arg6[%dma_start3A_22, %dma_start3A_23] : memref<3x128xi32, #tpu.memory_space<vmem>> -> memref<1x128xi32, #tpu.memory_space<vmem>>
    %dma_start3A_25 = tpu.memref_squeeze %dma_start3A_24 : memref<1x128xi32, #tpu.memory_space<vmem>> -> memref<128xi32, #tpu.memory_space<vmem>>
    %dma_start3A_26 = tpu.memref_slice %arg2[%min3A_21] : memref<100000xi32, #tpu.memory_space<hbm>> -> memref<128xi32, #tpu.memory_space<hbm>>
    %dma_start3A_27 = arith.constant 0 : i32
    %dma_start3A_28 = tpu.memref_slice %arg6[%dma_start3A_22, %dma_start3A_27] : memref<3x128xi32, #tpu.memory_space<vmem>> -> memref<1x128xi32, #tpu.memory_space<vmem>>
    %dma_start3A_29 = tpu.memref_squeeze %dma_start3A_28 : memref<1x128xi32, #tpu.memory_space<vmem>> -> memref<128xi32, #tpu.memory_space<vmem>>
    %dma_start3A_30 = tpu.memref_slice %arg2[%min3A_21] : memref<100000xi32, #tpu.memory_space<hbm>> -> memref<128xi32, #tpu.memory_space<hbm>>
    tpu.enqueue_dma source(%dma_start3A_30 : memref<128xi32, #tpu.memory_space<hbm>>) target(%dma_start3A_29 : memref<128xi32, #tpu.memory_space<vmem>>) target_semaphore(%arg9 : memref<!tpu.dma_semaphore, #tpu.memory_space<semaphore_mem>>)
    %add3A_31 = arith.constant 64 : i32
    %add3A_32 = arith.addi %add3A, %add3A_31 : i32
    %mul3A_33 = arith.constant 128 : i32
    %mul3A_34 = arith.muli %add3A_32, %mul3A_33 : i32
    %min3A_35 = arith.constant 99872 : i32
    %min3A_36 = arith.minsi %mul3A_34, %min3A_35 : i32
    %dma_start3A_37 = arith.constant 2 : i32
    %dma_start3A_38 = arith.constant 0 : i32
    %dma_start3A_39 = tpu.memref_slice %arg6[%dma_start3A_37, %dma_start3A_38] : memref<3x128xi32, #tpu.memory_space<vmem>> -> memref<1x128xi32, #tpu.memory_space<vmem>>
    %dma_start3A_40 = tpu.memref_squeeze %dma_start3A_39 : memref<1x128xi32, #tpu.memory_space<vmem>> -> memref<128xi32, #tpu.memory_space<vmem>>
    %dma_start3A_41 = tpu.memref_slice %arg2[%min3A_36] : memref<100000xi32, #tpu.memory_space<hbm>> -> memref<128xi32, #tpu.memory_space<hbm>>
    %dma_start3A_42 = arith.constant 0 : i32
    %dma_start3A_43 = tpu.memref_slice %arg6[%dma_start3A_37, %dma_start3A_42] : memref<3x128xi32, #tpu.memory_space<vmem>> -> memref<1x128xi32, #tpu.memory_space<vmem>>
    %dma_start3A_44 = tpu.memref_squeeze %dma_start3A_43 : memref<1x128xi32, #tpu.memory_space<vmem>> -> memref<128xi32, #tpu.memory_space<vmem>>
    %dma_start3A_45 = tpu.memref_slice %arg2[%min3A_36] : memref<100000xi32, #tpu.memory_space<hbm>> -> memref<128xi32, #tpu.memory_space<hbm>>
    tpu.enqueue_dma source(%dma_start3A_45 : memref<128xi32, #tpu.memory_space<hbm>>) target(%dma_start3A_44 : memref<128xi32, #tpu.memory_space<vmem>>) target_semaphore(%arg10 : memref<!tpu.dma_semaphore, #tpu.memory_space<semaphore_mem>>)
    %scan3A = arith.constant 0 : i32
    %scan3A_46 = arith.constant 9 : i32
    %scan3A_47 = arith.addi %scan3A, %scan3A_46 : i32
    %scan3A_48 = arith.constant 1 : i32
    scf.for %scan3A_103 = %scan3A to %scan3A_47 step %scan3A_48  : i32 {
      %mul3A_104 = arith.constant 3 : i32
      %mul3A_105 = arith.muli %scan3A_103, %mul3A_104 : i32
      %add3A_106 = arith.constant 0 : i32
      %add3A_107 = arith.addi %add3A_106, %mul3A_105 : i32
      %add3A_108 = arith.constant 0 : i32
      %add3A_109 = arith.addi %add3A_107, %add3A_108 : i32
      %mul3A_110 = arith.constant 32 : i32
      %mul3A_111 = arith.muli %add3A_109, %mul3A_110 : i32
      %add3A_112 = arith.addi %add3A, %mul3A_111 : i32
      %lt3A_113 = arith.constant 782 : i32
      %lt3A_114 = arith.cmpi slt, %add3A_112, %lt3A_113 : i32
      %convert_element_type3A_115 = arith.extui %lt3A_114 : i1 to i32
      %cond3A_116 = arith.constant 0 : i32
      %cond3A_117 = arith.cmpi ne, %convert_element_type3A_115, %cond3A_116 : i32
      scf.if %cond3A_117 {
        %mul3A_224 = arith.constant 32 : i32
        %mul3A_225 = arith.muli %add3A_109, %mul3A_224 : i32
        %add3A_226 = arith.addi %add3A, %mul3A_225 : i32
        %mul3A_227 = arith.constant 128 : i32
        %mul3A_228 = arith.muli %add3A_226, %mul3A_227 : i32
        %min3A_229 = arith.constant 99872 : i32
        %min3A_230 = arith.minsi %mul3A_228, %min3A_229 : i32
        %dma_wait3A = arith.constant 0 : i32
        %dma_wait3A_231 = arith.constant 0 : i32
        %dma_wait3A_232 = tpu.memref_slice %arg6[%dma_wait3A, %dma_wait3A_231] : memref<3x128xi32, #tpu.memory_space<vmem>> -> memref<1x128xi32, #tpu.memory_space<vmem>>
        %dma_wait3A_233 = tpu.memref_squeeze %dma_wait3A_232 : memref<1x128xi32, #tpu.memory_space<vmem>> -> memref<128xi32, #tpu.memory_space<vmem>>
        %dma_wait3A_234 = tpu.memref_slice %arg2[%min3A_230] : memref<100000xi32, #tpu.memory_space<hbm>> -> memref<128xi32, #tpu.memory_space<hbm>>
        %dma_wait3A_235 = arith.constant 0 : i32
        %dma_wait3A_236 = tpu.memref_slice %arg6[%dma_wait3A, %dma_wait3A_235] : memref<3x128xi32, #tpu.memory_space<vmem>> -> memref<1x128xi32, #tpu.memory_space<vmem>>
        %dma_wait3A_237 = tpu.memref_squeeze %dma_wait3A_236 : memref<1x128xi32, #tpu.memory_space<vmem>> -> memref<128xi32, #tpu.memory_space<vmem>>
        %dma_wait3A_238 = tpu.memref_slice %arg2[%min3A_230] : memref<100000xi32, #tpu.memory_space<hbm>> -> memref<128xi32, #tpu.memory_space<hbm>>
        tpu.wait_dma2 semaphore(%arg8 : memref<!tpu.dma_semaphore, #tpu.memory_space<semaphore_mem>>) src(%dma_wait3A_238 : memref<128xi32, #tpu.memory_space<hbm>>) dst(%dma_wait3A_237 : memref<128xi32, #tpu.memory_space<vmem>>)
      } else {
      }
      %mul3A_118 = arith.constant 32 : i32
      %mul3A_119 = arith.muli %add3A_109, %mul3A_118 : i32
      %add3A_120 = arith.addi %add3A, %mul3A_119 : i32
      %lt3A_121 = arith.constant 782 : i32
      %lt3A_122 = arith.cmpi slt, %add3A_120, %lt3A_121 : i32
      %ge3A = arith.constant 3 : i32
      %ge3A_123 = arith.cmpi sge, %add3A_109, %ge3A : i32
      %and3A_124 = arith.andi %lt3A_122, %ge3A_123 : i1
      %convert_element_type3A_125 = arith.extui %and3A_124 : i1 to i32
      %cond3A_126 = arith.constant 0 : i32
      %cond3A_127 = arith.cmpi ne, %convert_element_type3A_125, %cond3A_126 : i32
      scf.if %cond3A_127 {
        %sub3A = arith.constant 3 : i32
        %sub3A_224 = arith.subi %add3A_109, %sub3A : i32
        %mul3A_225 = arith.constant 32 : i32
        %mul3A_226 = arith.muli %sub3A_224, %mul3A_225 : i32
        %add3A_227 = arith.addi %add3A, %mul3A_226 : i32
        %mul3A_228 = arith.constant 128 : i32
        %mul3A_229 = arith.muli %add3A_227, %mul3A_228 : i32
        %min3A_230 = arith.constant 99872 : i32
        %min3A_231 = arith.minsi %mul3A_229, %min3A_230 : i32
        %dma_wait3A = arith.constant 0 : i32
        %dma_wait3A_232 = arith.constant 0 : i32
        %dma_wait3A_233 = tpu.memref_slice %arg4[%min3A_231, %dma_wait3A_232] : memref<100000x128xf32, #tpu.memory_space<hbm>> -> memref<128x128xf32, #tpu.memory_space<hbm>>
        %dma_wait3A_234 = arith.constant 0 : i32
        %dma_wait3A_235 = arith.constant 0 : i32
        %dma_wait3A_236 = arith.constant 0 : i32
        %dma_wait3A_237 = tpu.memref_slice %arg7[%arg1, %dma_wait3A_234, %dma_wait3A_235, %dma_wait3A_236] : memref<16x3x128x128xf32, #tpu.memory_space<vmem_shared>> -> memref<1x3x128x128xf32, #tpu.memory_space<vmem_shared>>
        %dma_wait3A_238 = tpu.memref_squeeze %dma_wait3A_237 : memref<1x3x128x128xf32, #tpu.memory_space<vmem_shared>> -> memref<3x128x128xf32, #tpu.memory_space<vmem_shared>>
        %dma_wait3A_239 = arith.constant 0 : i32
        %dma_wait3A_240 = arith.constant 0 : i32
        %dma_wait3A_241 = tpu.memref_slice %dma_wait3A_238[%dma_wait3A, %dma_wait3A_239, %dma_wait3A_240] : memref<3x128x128xf32, #tpu.memory_space<vmem_shared>> -> memref<1x128x128xf32, #tpu.memory_space<vmem_shared>>
        %dma_wait3A_242 = tpu.memref_squeeze %dma_wait3A_241 : memref<1x128x128xf32, #tpu.memory_space<vmem_shared>> -> memref<128x128xf32, #tpu.memory_space<vmem_shared>>
        tpu.wait_dma2 semaphore(%arg14 : memref<!tpu.dma_semaphore, #tpu.memory_space<semaphore_mem>>) src(%dma_wait3A_242 : memref<128x128xf32, #tpu.memory_space<vmem_shared>>) dst(%dma_wait3A_233 : memref<128x128xf32, #tpu.memory_space<hbm>>)
      } else {
      }
      %mul3A_128 = arith.constant 32 : i32
      %mul3A_129 = arith.muli %add3A_109, %mul3A_128 : i32
      %add3A_130 = arith.addi %add3A, %mul3A_129 : i32
      %lt3A_131 = arith.constant 782 : i32
      %lt3A_132 = arith.cmpi slt, %add3A_130, %lt3A_131 : i32
      %convert_element_type3A_133 = arith.extui %lt3A_132 : i1 to i32
      %cond3A_134 = arith.constant 0 : i32
      %cond3A_135 = arith.cmpi ne, %convert_element_type3A_133, %cond3A_134 : i32
      scf.if %cond3A_135 {
        %mul3A_224 = arith.constant 32 : i32
        %mul3A_225 = arith.muli %add3A_109, %mul3A_224 : i32
        %add3A_226 = arith.addi %add3A, %mul3A_225 : i32
        %mul3A_227 = arith.constant 128 : i32
        %mul3A_228 = arith.muli %add3A_226, %mul3A_227 : i32
        %min3A_229 = arith.constant 99872 : i32
        %min3A_230 = arith.minsi %mul3A_228, %min3A_229 : i32
        %dma_start3A_231 = arith.constant 0 : i32
        %dma_start3A_232 = arith.constant 0 : i32
        %dma_start3A_233 = tpu.memref_slice %arg4[%min3A_230, %dma_start3A_232] : memref<100000x128xf32, #tpu.memory_space<hbm>> -> memref<128x128xf32, #tpu.memory_space<hbm>>
        %dma_start3A_234 = arith.constant 0 : i32
        %dma_start3A_235 = arith.constant 0 : i32
        %dma_start3A_236 = arith.constant 0 : i32
        %dma_start3A_237 = tpu.memref_slice %arg7[%arg1, %dma_start3A_234, %dma_start3A_235, %dma_start3A_236] : memref<16x3x128x128xf32, #tpu.memory_space<vmem_shared>> -> memref<1x3x128x128xf32, #tpu.memory_space<vmem_shared>>
        %dma_start3A_238 = tpu.memref_squeeze %dma_start3A_237 : memref<1x3x128x128xf32, #tpu.memory_space<vmem_shared>> -> memref<3x128x128xf32, #tpu.memory_space<vmem_shared>>
        %dma_start3A_239 = arith.constant 0 : i32
        %dma_start3A_240 = arith.constant 0 : i32
        %dma_start3A_241 = tpu.memref_slice %dma_start3A_238[%dma_start3A_231, %dma_start3A_239, %dma_start3A_240] : memref<3x128x128xf32, #tpu.memory_space<vmem_shared>> -> memref<1x128x128xf32, #tpu.memory_space<vmem_shared>>
        %dma_start3A_242 = tpu.memref_squeeze %dma_start3A_241 : memref<1x128x128xf32, #tpu.memory_space<vmem_shared>> -> memref<128x128xf32, #tpu.memory_space<vmem_shared>>
        tpu.enqueue_dma source(%dma_start3A_242 : memref<128x128xf32, #tpu.memory_space<vmem_shared>>) target(%dma_start3A_233 : memref<128x128xf32, #tpu.memory_space<hbm>>) target_semaphore(%arg14 : memref<!tpu.dma_semaphore, #tpu.memory_space<semaphore_mem>>)
      } else {
      }
      %add3A_136 = arith.constant 3 : i32
      %add3A_137 = arith.addi %add3A_109, %add3A_136 : i32
      %mul3A_138 = arith.constant 32 : i32
      %mul3A_139 = arith.muli %add3A_137, %mul3A_138 : i32
      %add3A_140 = arith.addi %add3A, %mul3A_139 : i32
      %lt3A_141 = arith.constant 782 : i32
      %lt3A_142 = arith.cmpi slt, %add3A_140, %lt3A_141 : i32
      %convert_element_type3A_143 = arith.extui %lt3A_142 : i1 to i32
      %cond3A_144 = arith.constant 0 : i32
      %cond3A_145 = arith.cmpi ne, %convert_element_type3A_143, %cond3A_144 : i32
      scf.if %cond3A_145 {
        %add3A_224 = arith.constant 3 : i32
        %add3A_225 = arith.addi %add3A_109, %add3A_224 : i32
        %mul3A_226 = arith.constant 32 : i32
        %mul3A_227 = arith.muli %add3A_225, %mul3A_226 : i32
        %add3A_228 = arith.addi %add3A, %mul3A_227 : i32
        %mul3A_229 = arith.constant 128 : i32
        %mul3A_230 = arith.muli %add3A_228, %mul3A_229 : i32
        %min3A_231 = arith.constant 99872 : i32
        %min3A_232 = arith.minsi %mul3A_230, %min3A_231 : i32
        %dma_start3A_233 = arith.constant 0 : i32
        %dma_start3A_234 = arith.constant 0 : i32
        %dma_start3A_235 = tpu.memref_slice %arg6[%dma_start3A_233, %dma_start3A_234] : memref<3x128xi32, #tpu.memory_space<vmem>> -> memref<1x128xi32, #tpu.memory_space<vmem>>
        %dma_start3A_236 = tpu.memref_squeeze %dma_start3A_235 : memref<1x128xi32, #tpu.memory_space<vmem>> -> memref<128xi32, #tpu.memory_space<vmem>>
        %dma_start3A_237 = tpu.memref_slice %arg2[%min3A_232] : memref<100000xi32, #tpu.memory_space<hbm>> -> memref<128xi32, #tpu.memory_space<hbm>>
        %dma_start3A_238 = arith.constant 0 : i32
        %dma_start3A_239 = tpu.memref_slice %arg6[%dma_start3A_233, %dma_start3A_238] : memref<3x128xi32, #tpu.memory_space<vmem>> -> memref<1x128xi32, #tpu.memory_space<vmem>>
        %dma_start3A_240 = tpu.memref_squeeze %dma_start3A_239 : memref<1x128xi32, #tpu.memory_space<vmem>> -> memref<128xi32, #tpu.memory_space<vmem>>
        %dma_start3A_241 = tpu.memref_slice %arg2[%min3A_232] : memref<100000xi32, #tpu.memory_space<hbm>> -> memref<128xi32, #tpu.memory_space<hbm>>
        tpu.enqueue_dma source(%dma_start3A_241 : memref<128xi32, #tpu.memory_space<hbm>>) target(%dma_start3A_240 : memref<128xi32, #tpu.memory_space<vmem>>) target_semaphore(%arg8 : memref<!tpu.dma_semaphore, #tpu.memory_space<semaphore_mem>>)
      } else {
      }
      %add3A_146 = arith.constant 1 : i32
      %add3A_147 = arith.addi %add3A_107, %add3A_146 : i32
      %mul3A_148 = arith.constant 32 : i32
      %mul3A_149 = arith.muli %add3A_147, %mul3A_148 : i32
      %add3A_150 = arith.addi %add3A, %mul3A_149 : i32
      %lt3A_151 = arith.constant 782 : i32
      %lt3A_152 = arith.cmpi slt, %add3A_150, %lt3A_151 : i32
      %convert_element_type3A_153 = arith.extui %lt3A_152 : i1 to i32
      %cond3A_154 = arith.constant 0 : i32
      %cond3A_155 = arith.cmpi ne, %convert_element_type3A_153, %cond3A_154 : i32
      scf.if %cond3A_155 {
        %mul3A_224 = arith.constant 32 : i32
        %mul3A_225 = arith.muli %add3A_147, %mul3A_224 : i32
        %add3A_226 = arith.addi %add3A, %mul3A_225 : i32
        %mul3A_227 = arith.constant 128 : i32
        %mul3A_228 = arith.muli %add3A_226, %mul3A_227 : i32
        %min3A_229 = arith.constant 99872 : i32
        %min3A_230 = arith.minsi %mul3A_228, %min3A_229 : i32
        %dma_wait3A = arith.constant 1 : i32
        %dma_wait3A_231 = arith.constant 0 : i32
        %dma_wait3A_232 = tpu.memref_slice %arg6[%dma_wait3A, %dma_wait3A_231] : memref<3x128xi32, #tpu.memory_space<vmem>> -> memref<1x128xi32, #tpu.memory_space<vmem>>
        %dma_wait3A_233 = tpu.memref_squeeze %dma_wait3A_232 : memref<1x128xi32, #tpu.memory_space<vmem>> -> memref<128xi32, #tpu.memory_space<vmem>>
        %dma_wait3A_234 = tpu.memref_slice %arg2[%min3A_230] : memref<100000xi32, #tpu.memory_space<hbm>> -> memref<128xi32, #tpu.memory_space<hbm>>
        %dma_wait3A_235 = arith.constant 0 : i32
        %dma_wait3A_236 = tpu.memref_slice %arg6[%dma_wait3A, %dma_wait3A_235] : memref<3x128xi32, #tpu.memory_space<vmem>> -> memref<1x128xi32, #tpu.memory_space<vmem>>
        %dma_wait3A_237 = tpu.memref_squeeze %dma_wait3A_236 : memref<1x128xi32, #tpu.memory_space<vmem>> -> memref<128xi32, #tpu.memory_space<vmem>>
        %dma_wait3A_238 = tpu.memref_slice %arg2[%min3A_230] : memref<100000xi32, #tpu.memory_space<hbm>> -> memref<128xi32, #tpu.memory_space<hbm>>
        tpu.wait_dma2 semaphore(%arg9 : memref<!tpu.dma_semaphore, #tpu.memory_space<semaphore_mem>>) src(%dma_wait3A_238 : memref<128xi32, #tpu.memory_space<hbm>>) dst(%dma_wait3A_237 : memref<128xi32, #tpu.memory_space<vmem>>)
      } else {
      }
      %mul3A_156 = arith.constant 32 : i32
      %mul3A_157 = arith.muli %add3A_147, %mul3A_156 : i32
      %add3A_158 = arith.addi %add3A, %mul3A_157 : i32
      %lt3A_159 = arith.constant 782 : i32
      %lt3A_160 = arith.cmpi slt, %add3A_158, %lt3A_159 : i32
      %ge3A_161 = arith.constant 3 : i32
      %ge3A_162 = arith.cmpi sge, %add3A_147, %ge3A_161 : i32
      %and3A_163 = arith.andi %lt3A_160, %ge3A_162 : i1
      %convert_element_type3A_164 = arith.extui %and3A_163 : i1 to i32
      %cond3A_165 = arith.constant 0 : i32
      %cond3A_166 = arith.cmpi ne, %convert_element_type3A_164, %cond3A_165 : i32
      scf.if %cond3A_166 {
        %sub3A = arith.constant 3 : i32
        %sub3A_224 = arith.subi %add3A_147, %sub3A : i32
        %mul3A_225 = arith.constant 32 : i32
        %mul3A_226 = arith.muli %sub3A_224, %mul3A_225 : i32
        %add3A_227 = arith.addi %add3A, %mul3A_226 : i32
        %mul3A_228 = arith.constant 128 : i32
        %mul3A_229 = arith.muli %add3A_227, %mul3A_228 : i32
        %min3A_230 = arith.constant 99872 : i32
        %min3A_231 = arith.minsi %mul3A_229, %min3A_230 : i32
        %dma_wait3A = arith.constant 1 : i32
        %dma_wait3A_232 = arith.constant 0 : i32
        %dma_wait3A_233 = tpu.memref_slice %arg4[%min3A_231, %dma_wait3A_232] : memref<100000x128xf32, #tpu.memory_space<hbm>> -> memref<128x128xf32, #tpu.memory_space<hbm>>
        %dma_wait3A_234 = arith.constant 0 : i32
        %dma_wait3A_235 = arith.constant 0 : i32
        %dma_wait3A_236 = arith.constant 0 : i32
        %dma_wait3A_237 = tpu.memref_slice %arg7[%arg1, %dma_wait3A_234, %dma_wait3A_235, %dma_wait3A_236] : memref<16x3x128x128xf32, #tpu.memory_space<vmem_shared>> -> memref<1x3x128x128xf32, #tpu.memory_space<vmem_shared>>
        %dma_wait3A_238 = tpu.memref_squeeze %dma_wait3A_237 : memref<1x3x128x128xf32, #tpu.memory_space<vmem_shared>> -> memref<3x128x128xf32, #tpu.memory_space<vmem_shared>>
        %dma_wait3A_239 = arith.constant 0 : i32
        %dma_wait3A_240 = arith.constant 0 : i32
        %dma_wait3A_241 = tpu.memref_slice %dma_wait3A_238[%dma_wait3A, %dma_wait3A_239, %dma_wait3A_240] : memref<3x128x128xf32, #tpu.memory_space<vmem_shared>> -> memref<1x128x128xf32, #tpu.memory_space<vmem_shared>>
        %dma_wait3A_242 = tpu.memref_squeeze %dma_wait3A_241 : memref<1x128x128xf32, #tpu.memory_space<vmem_shared>> -> memref<128x128xf32, #tpu.memory_space<vmem_shared>>
        tpu.wait_dma2 semaphore(%arg15 : memref<!tpu.dma_semaphore, #tpu.memory_space<semaphore_mem>>) src(%dma_wait3A_242 : memref<128x128xf32, #tpu.memory_space<vmem_shared>>) dst(%dma_wait3A_233 : memref<128x128xf32, #tpu.memory_space<hbm>>)
      } else {
      }
      %mul3A_167 = arith.constant 32 : i32
      %mul3A_168 = arith.muli %add3A_147, %mul3A_167 : i32
      %add3A_169 = arith.addi %add3A, %mul3A_168 : i32
      %lt3A_170 = arith.constant 782 : i32
      %lt3A_171 = arith.cmpi slt, %add3A_169, %lt3A_170 : i32
      %convert_element_type3A_172 = arith.extui %lt3A_171 : i1 to i32
      %cond3A_173 = arith.constant 0 : i32
      %cond3A_174 = arith.cmpi ne, %convert_element_type3A_172, %cond3A_173 : i32
      scf.if %cond3A_174 {
        %mul3A_224 = arith.constant 32 : i32
        %mul3A_225 = arith.muli %add3A_147, %mul3A_224 : i32
        %add3A_226 = arith.addi %add3A, %mul3A_225 : i32
        %mul3A_227 = arith.constant 128 : i32
        %mul3A_228 = arith.muli %add3A_226, %mul3A_227 : i32
        %min3A_229 = arith.constant 99872 : i32
        %min3A_230 = arith.minsi %mul3A_228, %min3A_229 : i32
        %dma_start3A_231 = arith.constant 1 : i32
        %dma_start3A_232 = arith.constant 0 : i32
        %dma_start3A_233 = tpu.memref_slice %arg4[%min3A_230, %dma_start3A_232] : memref<100000x128xf32, #tpu.memory_space<hbm>> -> memref<128x128xf32, #tpu.memory_space<hbm>>
        %dma_start3A_234 = arith.constant 0 : i32
        %dma_start3A_235 = arith.constant 0 : i32
        %dma_start3A_236 = arith.constant 0 : i32
        %dma_start3A_237 = tpu.memref_slice %arg7[%arg1, %dma_start3A_234, %dma_start3A_235, %dma_start3A_236] : memref<16x3x128x128xf32, #tpu.memory_space<vmem_shared>> -> memref<1x3x128x128xf32, #tpu.memory_space<vmem_shared>>
        %dma_start3A_238 = tpu.memref_squeeze %dma_start3A_237 : memref<1x3x128x128xf32, #tpu.memory_space<vmem_shared>> -> memref<3x128x128xf32, #tpu.memory_space<vmem_shared>>
        %dma_start3A_239 = arith.constant 0 : i32
        %dma_start3A_240 = arith.constant 0 : i32
        %dma_start3A_241 = tpu.memref_slice %dma_start3A_238[%dma_start3A_231, %dma_start3A_239, %dma_start3A_240] : memref<3x128x128xf32, #tpu.memory_space<vmem_shared>> -> memref<1x128x128xf32, #tpu.memory_space<vmem_shared>>
        %dma_start3A_242 = tpu.memref_squeeze %dma_start3A_241 : memref<1x128x128xf32, #tpu.memory_space<vmem_shared>> -> memref<128x128xf32, #tpu.memory_space<vmem_shared>>
        tpu.enqueue_dma source(%dma_start3A_242 : memref<128x128xf32, #tpu.memory_space<vmem_shared>>) target(%dma_start3A_233 : memref<128x128xf32, #tpu.memory_space<hbm>>) target_semaphore(%arg15 : memref<!tpu.dma_semaphore, #tpu.memory_space<semaphore_mem>>)
      } else {
      }
      %add3A_175 = arith.constant 3 : i32
      %add3A_176 = arith.addi %add3A_147, %add3A_175 : i32
      %mul3A_177 = arith.constant 32 : i32
      %mul3A_178 = arith.muli %add3A_176, %mul3A_177 : i32
      %add3A_179 = arith.addi %add3A, %mul3A_178 : i32
      %lt3A_180 = arith.constant 782 : i32
      %lt3A_181 = arith.cmpi slt, %add3A_179, %lt3A_180 : i32
      %convert_element_type3A_182 = arith.extui %lt3A_181 : i1 to i32
      %cond3A_183 = arith.constant 0 : i32
      %cond3A_184 = arith.cmpi ne, %convert_element_type3A_182, %cond3A_183 : i32
      scf.if %cond3A_184 {
        %add3A_224 = arith.constant 3 : i32
        %add3A_225 = arith.addi %add3A_147, %add3A_224 : i32
        %mul3A_226 = arith.constant 32 : i32
        %mul3A_227 = arith.muli %add3A_225, %mul3A_226 : i32
        %add3A_228 = arith.addi %add3A, %mul3A_227 : i32
        %mul3A_229 = arith.constant 128 : i32
        %mul3A_230 = arith.muli %add3A_228, %mul3A_229 : i32
        %min3A_231 = arith.constant 99872 : i32
        %min3A_232 = arith.minsi %mul3A_230, %min3A_231 : i32
        %dma_start3A_233 = arith.constant 1 : i32
        %dma_start3A_234 = arith.constant 0 : i32
        %dma_start3A_235 = tpu.memref_slice %arg6[%dma_start3A_233, %dma_start3A_234] : memref<3x128xi32, #tpu.memory_space<vmem>> -> memref<1x128xi32, #tpu.memory_space<vmem>>
        %dma_start3A_236 = tpu.memref_squeeze %dma_start3A_235 : memref<1x128xi32, #tpu.memory_space<vmem>> -> memref<128xi32, #tpu.memory_space<vmem>>
        %dma_start3A_237 = tpu.memref_slice %arg2[%min3A_232] : memref<100000xi32, #tpu.memory_space<hbm>> -> memref<128xi32, #tpu.memory_space<hbm>>
        %dma_start3A_238 = arith.constant 0 : i32
        %dma_start3A_239 = tpu.memref_slice %arg6[%dma_start3A_233, %dma_start3A_238] : memref<3x128xi32, #tpu.memory_space<vmem>> -> memref<1x128xi32, #tpu.memory_space<vmem>>
        %dma_start3A_240 = tpu.memref_squeeze %dma_start3A_239 : memref<1x128xi32, #tpu.memory_space<vmem>> -> memref<128xi32, #tpu.memory_space<vmem>>
        %dma_start3A_241 = tpu.memref_slice %arg2[%min3A_232] : memref<100000xi32, #tpu.memory_space<hbm>> -> memref<128xi32, #tpu.memory_space<hbm>>
        tpu.enqueue_dma source(%dma_start3A_241 : memref<128xi32, #tpu.memory_space<hbm>>) target(%dma_start3A_240 : memref<128xi32, #tpu.memory_space<vmem>>) target_semaphore(%arg9 : memref<!tpu.dma_semaphore, #tpu.memory_space<semaphore_mem>>)
      } else {
      }
      %add3A_185 = arith.constant 2 : i32
      %add3A_186 = arith.addi %add3A_107, %add3A_185 : i32
      %mul3A_187 = arith.constant 32 : i32
      %mul3A_188 = arith.muli %add3A_186, %mul3A_187 : i32
      %add3A_189 = arith.addi %add3A, %mul3A_188 : i32
      %lt3A_190 = arith.constant 782 : i32
      %lt3A_191 = arith.cmpi slt, %add3A_189, %lt3A_190 : i32
      %convert_element_type3A_192 = arith.extui %lt3A_191 : i1 to i32
      %cond3A_193 = arith.constant 0 : i32
      %cond3A_194 = arith.cmpi ne, %convert_element_type3A_192, %cond3A_193 : i32
      scf.if %cond3A_194 {
        %mul3A_224 = arith.constant 32 : i32
        %mul3A_225 = arith.muli %add3A_186, %mul3A_224 : i32
        %add3A_226 = arith.addi %add3A, %mul3A_225 : i32
        %mul3A_227 = arith.constant 128 : i32
        %mul3A_228 = arith.muli %add3A_226, %mul3A_227 : i32
        %min3A_229 = arith.constant 99872 : i32
        %min3A_230 = arith.minsi %mul3A_228, %min3A_229 : i32
        %dma_wait3A = arith.constant 2 : i32
        %dma_wait3A_231 = arith.constant 0 : i32
        %dma_wait3A_232 = tpu.memref_slice %arg6[%dma_wait3A, %dma_wait3A_231] : memref<3x128xi32, #tpu.memory_space<vmem>> -> memref<1x128xi32, #tpu.memory_space<vmem>>
        %dma_wait3A_233 = tpu.memref_squeeze %dma_wait3A_232 : memref<1x128xi32, #tpu.memory_space<vmem>> -> memref<128xi32, #tpu.memory_space<vmem>>
        %dma_wait3A_234 = tpu.memref_slice %arg2[%min3A_230] : memref<100000xi32, #tpu.memory_space<hbm>> -> memref<128xi32, #tpu.memory_space<hbm>>
        %dma_wait3A_235 = arith.constant 0 : i32
        %dma_wait3A_236 = tpu.memref_slice %arg6[%dma_wait3A, %dma_wait3A_235] : memref<3x128xi32, #tpu.memory_space<vmem>> -> memref<1x128xi32, #tpu.memory_space<vmem>>
        %dma_wait3A_237 = tpu.memref_squeeze %dma_wait3A_236 : memref<1x128xi32, #tpu.memory_space<vmem>> -> memref<128xi32, #tpu.memory_space<vmem>>
        %dma_wait3A_238 = tpu.memref_slice %arg2[%min3A_230] : memref<100000xi32, #tpu.memory_space<hbm>> -> memref<128xi32, #tpu.memory_space<hbm>>
        tpu.wait_dma2 semaphore(%arg10 : memref<!tpu.dma_semaphore, #tpu.memory_space<semaphore_mem>>) src(%dma_wait3A_238 : memref<128xi32, #tpu.memory_space<hbm>>) dst(%dma_wait3A_237 : memref<128xi32, #tpu.memory_space<vmem>>)
      } else {
      }
      %mul3A_195 = arith.constant 32 : i32
      %mul3A_196 = arith.muli %add3A_186, %mul3A_195 : i32
      %add3A_197 = arith.addi %add3A, %mul3A_196 : i32
      %lt3A_198 = arith.constant 782 : i32
      %lt3A_199 = arith.cmpi slt, %add3A_197, %lt3A_198 : i32
      %ge3A_200 = arith.constant 3 : i32
      %ge3A_201 = arith.cmpi sge, %add3A_186, %ge3A_200 : i32
      %and3A_202 = arith.andi %lt3A_199, %ge3A_201 : i1
      %convert_element_type3A_203 = arith.extui %and3A_202 : i1 to i32
      %cond3A_204 = arith.constant 0 : i32
      %cond3A_205 = arith.cmpi ne, %convert_element_type3A_203, %cond3A_204 : i32
      scf.if %cond3A_205 {
        %sub3A = arith.constant 3 : i32
        %sub3A_224 = arith.subi %add3A_186, %sub3A : i32
        %mul3A_225 = arith.constant 32 : i32
        %mul3A_226 = arith.muli %sub3A_224, %mul3A_225 : i32
        %add3A_227 = arith.addi %add3A, %mul3A_226 : i32
        %mul3A_228 = arith.constant 128 : i32
        %mul3A_229 = arith.muli %add3A_227, %mul3A_228 : i32
        %min3A_230 = arith.constant 99872 : i32
        %min3A_231 = arith.minsi %mul3A_229, %min3A_230 : i32
        %dma_wait3A = arith.constant 2 : i32
        %dma_wait3A_232 = arith.constant 0 : i32
        %dma_wait3A_233 = tpu.memref_slice %arg4[%min3A_231, %dma_wait3A_232] : memref<100000x128xf32, #tpu.memory_space<hbm>> -> memref<128x128xf32, #tpu.memory_space<hbm>>
        %dma_wait3A_234 = arith.constant 0 : i32
        %dma_wait3A_235 = arith.constant 0 : i32
        %dma_wait3A_236 = arith.constant 0 : i32
        %dma_wait3A_237 = tpu.memref_slice %arg7[%arg1, %dma_wait3A_234, %dma_wait3A_235, %dma_wait3A_236] : memref<16x3x128x128xf32, #tpu.memory_space<vmem_shared>> -> memref<1x3x128x128xf32, #tpu.memory_space<vmem_shared>>
        %dma_wait3A_238 = tpu.memref_squeeze %dma_wait3A_237 : memref<1x3x128x128xf32, #tpu.memory_space<vmem_shared>> -> memref<3x128x128xf32, #tpu.memory_space<vmem_shared>>
        %dma_wait3A_239 = arith.constant 0 : i32
        %dma_wait3A_240 = arith.constant 0 : i32
        %dma_wait3A_241 = tpu.memref_slice %dma_wait3A_238[%dma_wait3A, %dma_wait3A_239, %dma_wait3A_240] : memref<3x128x128xf32, #tpu.memory_space<vmem_shared>> -> memref<1x128x128xf32, #tpu.memory_space<vmem_shared>>
        %dma_wait3A_242 = tpu.memref_squeeze %dma_wait3A_241 : memref<1x128x128xf32, #tpu.memory_space<vmem_shared>> -> memref<128x128xf32, #tpu.memory_space<vmem_shared>>
        tpu.wait_dma2 semaphore(%arg16 : memref<!tpu.dma_semaphore, #tpu.memory_space<semaphore_mem>>) src(%dma_wait3A_242 : memref<128x128xf32, #tpu.memory_space<vmem_shared>>) dst(%dma_wait3A_233 : memref<128x128xf32, #tpu.memory_space<hbm>>)
      } else {
      }
      %mul3A_206 = arith.constant 32 : i32
      %mul3A_207 = arith.muli %add3A_186, %mul3A_206 : i32
      %add3A_208 = arith.addi %add3A, %mul3A_207 : i32
      %lt3A_209 = arith.constant 782 : i32
      %lt3A_210 = arith.cmpi slt, %add3A_208, %lt3A_209 : i32
      %convert_element_type3A_211 = arith.extui %lt3A_210 : i1 to i32
      %cond3A_212 = arith.constant 0 : i32
      %cond3A_213 = arith.cmpi ne, %convert_element_type3A_211, %cond3A_212 : i32
      scf.if %cond3A_213 {
        %mul3A_224 = arith.constant 32 : i32
        %mul3A_225 = arith.muli %add3A_186, %mul3A_224 : i32
        %add3A_226 = arith.addi %add3A, %mul3A_225 : i32
        %mul3A_227 = arith.constant 128 : i32
        %mul3A_228 = arith.muli %add3A_226, %mul3A_227 : i32
        %min3A_229 = arith.constant 99872 : i32
        %min3A_230 = arith.minsi %mul3A_228, %min3A_229 : i32
        %dma_start3A_231 = arith.constant 2 : i32
        %dma_start3A_232 = arith.constant 0 : i32
        %dma_start3A_233 = tpu.memref_slice %arg4[%min3A_230, %dma_start3A_232] : memref<100000x128xf32, #tpu.memory_space<hbm>> -> memref<128x128xf32, #tpu.memory_space<hbm>>
        %dma_start3A_234 = arith.constant 0 : i32
        %dma_start3A_235 = arith.constant 0 : i32
        %dma_start3A_236 = arith.constant 0 : i32
        %dma_start3A_237 = tpu.memref_slice %arg7[%arg1, %dma_start3A_234, %dma_start3A_235, %dma_start3A_236] : memref<16x3x128x128xf32, #tpu.memory_space<vmem_shared>> -> memref<1x3x128x128xf32, #tpu.memory_space<vmem_shared>>
        %dma_start3A_238 = tpu.memref_squeeze %dma_start3A_237 : memref<1x3x128x128xf32, #tpu.memory_space<vmem_shared>> -> memref<3x128x128xf32, #tpu.memory_space<vmem_shared>>
        %dma_start3A_239 = arith.constant 0 : i32
        %dma_start3A_240 = arith.constant 0 : i32
        %dma_start3A_241 = tpu.memref_slice %dma_start3A_238[%dma_start3A_231, %dma_start3A_239, %dma_start3A_240] : memref<3x128x128xf32, #tpu.memory_space<vmem_shared>> -> memref<1x128x128xf32, #tpu.memory_space<vmem_shared>>
        %dma_start3A_242 = tpu.memref_squeeze %dma_start3A_241 : memref<1x128x128xf32, #tpu.memory_space<vmem_shared>> -> memref<128x128xf32, #tpu.memory_space<vmem_shared>>
        tpu.enqueue_dma source(%dma_start3A_242 : memref<128x128xf32, #tpu.memory_space<vmem_shared>>) target(%dma_start3A_233 : memref<128x128xf32, #tpu.memory_space<hbm>>) target_semaphore(%arg16 : memref<!tpu.dma_semaphore, #tpu.memory_space<semaphore_mem>>)
      } else {
      }
      %add3A_214 = arith.constant 3 : i32
      %add3A_215 = arith.addi %add3A_186, %add3A_214 : i32
      %mul3A_216 = arith.constant 32 : i32
      %mul3A_217 = arith.muli %add3A_215, %mul3A_216 : i32
      %add3A_218 = arith.addi %add3A, %mul3A_217 : i32
      %lt3A_219 = arith.constant 782 : i32
      %lt3A_220 = arith.cmpi slt, %add3A_218, %lt3A_219 : i32
      %convert_element_type3A_221 = arith.extui %lt3A_220 : i1 to i32
      %cond3A_222 = arith.constant 0 : i32
      %cond3A_223 = arith.cmpi ne, %convert_element_type3A_221, %cond3A_222 : i32
      scf.if %cond3A_223 {
        %add3A_224 = arith.constant 3 : i32
        %add3A_225 = arith.addi %add3A_186, %add3A_224 : i32
        %mul3A_226 = arith.constant 32 : i32
        %mul3A_227 = arith.muli %add3A_225, %mul3A_226 : i32
        %add3A_228 = arith.addi %add3A, %mul3A_227 : i32
        %mul3A_229 = arith.constant 128 : i32
        %mul3A_230 = arith.muli %add3A_228, %mul3A_229 : i32
        %min3A_231 = arith.constant 99872 : i32
        %min3A_232 = arith.minsi %mul3A_230, %min3A_231 : i32
        %dma_start3A_233 = arith.constant 2 : i32
        %dma_start3A_234 = arith.constant 0 : i32
        %dma_start3A_235 = tpu.memref_slice %arg6[%dma_start3A_233, %dma_start3A_234] : memref<3x128xi32, #tpu.memory_space<vmem>> -> memref<1x128xi32, #tpu.memory_space<vmem>>
        %dma_start3A_236 = tpu.memref_squeeze %dma_start3A_235 : memref<1x128xi32, #tpu.memory_space<vmem>> -> memref<128xi32, #tpu.memory_space<vmem>>
        %dma_start3A_237 = tpu.memref_slice %arg2[%min3A_232] : memref<100000xi32, #tpu.memory_space<hbm>> -> memref<128xi32, #tpu.memory_space<hbm>>
        %dma_start3A_238 = arith.constant 0 : i32
        %dma_start3A_239 = tpu.memref_slice %arg6[%dma_start3A_233, %dma_start3A_238] : memref<3x128xi32, #tpu.memory_space<vmem>> -> memref<1x128xi32, #tpu.memory_space<vmem>>
        %dma_start3A_240 = tpu.memref_squeeze %dma_start3A_239 : memref<1x128xi32, #tpu.memory_space<vmem>> -> memref<128xi32, #tpu.memory_space<vmem>>
        %dma_start3A_241 = tpu.memref_slice %arg2[%min3A_232] : memref<100000xi32, #tpu.memory_space<hbm>> -> memref<128xi32, #tpu.memory_space<hbm>>
        tpu.enqueue_dma source(%dma_start3A_241 : memref<128xi32, #tpu.memory_space<hbm>>) target(%dma_start3A_240 : memref<128xi32, #tpu.memory_space<vmem>>) target_semaphore(%arg10 : memref<!tpu.dma_semaphore, #tpu.memory_space<semaphore_mem>>)
      } else {
      }
    }
    %scan3A_49 = arith.constant 9 : i32
    %add3A_50 = arith.constant 672 : i32
    %add3A_51 = arith.addi %add3A, %add3A_50 : i32
    %lt3A = arith.constant 782 : i32
    %lt3A_52 = arith.cmpi slt, %add3A_51, %lt3A : i32
    %add3A_53 = arith.constant 768 : i32
    %add3A_54 = arith.addi %add3A, %add3A_53 : i32
    %lt3A_55 = arith.constant 782 : i32
    %lt3A_56 = arith.cmpi slt, %add3A_54, %lt3A_55 : i32
    %not3A = arith.constant true
    %not3A_57 = arith.xori %lt3A_56, %not3A : i1
    %and3A = arith.andi %lt3A_52, %not3A_57 : i1
    %convert_element_type3A_58 = arith.extui %and3A : i1 to i32
    %cond3A_59 = arith.constant 0 : i32
    %cond3A_60 = arith.cmpi ne, %convert_element_type3A_58, %cond3A_59 : i32
    scf.if %cond3A_60 {
      %add3A_103 = arith.constant 672 : i32
      %add3A_104 = arith.addi %add3A, %add3A_103 : i32
      %mul3A_105 = arith.constant 128 : i32
      %mul3A_106 = arith.muli %add3A_104, %mul3A_105 : i32
      %min3A_107 = arith.constant 99872 : i32
      %min3A_108 = arith.minsi %mul3A_106, %min3A_107 : i32
      %dma_wait3A = arith.constant 0 : i32
      %dma_wait3A_109 = arith.constant 0 : i32
      %dma_wait3A_110 = tpu.memref_slice %arg4[%min3A_108, %dma_wait3A_109] : memref<100000x128xf32, #tpu.memory_space<hbm>> -> memref<128x128xf32, #tpu.memory_space<hbm>>
      %dma_wait3A_111 = arith.constant 0 : i32
      %dma_wait3A_112 = arith.constant 0 : i32
      %dma_wait3A_113 = arith.constant 0 : i32
      %dma_wait3A_114 = tpu.memref_slice %arg7[%arg1, %dma_wait3A_111, %dma_wait3A_112, %dma_wait3A_113] : memref<16x3x128x128xf32, #tpu.memory_space<vmem_shared>> -> memref<1x3x128x128xf32, #tpu.memory_space<vmem_shared>>
      %dma_wait3A_115 = tpu.memref_squeeze %dma_wait3A_114 : memref<1x3x128x128xf32, #tpu.memory_space<vmem_shared>> -> memref<3x128x128xf32, #tpu.memory_space<vmem_shared>>
      %dma_wait3A_116 = arith.constant 0 : i32
      %dma_wait3A_117 = arith.constant 0 : i32
      %dma_wait3A_118 = tpu.memref_slice %dma_wait3A_115[%dma_wait3A, %dma_wait3A_116, %dma_wait3A_117] : memref<3x128x128xf32, #tpu.memory_space<vmem_shared>> -> memref<1x128x128xf32, #tpu.memory_space<vmem_shared>>
      %dma_wait3A_119 = tpu.memref_squeeze %dma_wait3A_118 : memref<1x128x128xf32, #tpu.memory_space<vmem_shared>> -> memref<128x128xf32, #tpu.memory_space<vmem_shared>>
      tpu.wait_dma2 semaphore(%arg14 : memref<!tpu.dma_semaphore, #tpu.memory_space<semaphore_mem>>) src(%dma_wait3A_119 : memref<128x128xf32, #tpu.memory_space<vmem_shared>>) dst(%dma_wait3A_110 : memref<128x128xf32, #tpu.memory_space<hbm>>)
    } else {
    }
    %add3A_61 = arith.constant 704 : i32
    %add3A_62 = arith.addi %add3A, %add3A_61 : i32
    %lt3A_63 = arith.constant 782 : i32
    %lt3A_64 = arith.cmpi slt, %add3A_62, %lt3A_63 : i32
    %add3A_65 = arith.constant 800 : i32
    %add3A_66 = arith.addi %add3A, %add3A_65 : i32
    %lt3A_67 = arith.constant 782 : i32
    %lt3A_68 = arith.cmpi slt, %add3A_66, %lt3A_67 : i32
    %not3A_69 = arith.constant true
    %not3A_70 = arith.xori %lt3A_68, %not3A_69 : i1
    %and3A_71 = arith.andi %lt3A_64, %not3A_70 : i1
    %convert_element_type3A_72 = arith.extui %and3A_71 : i1 to i32
    %cond3A_73 = arith.constant 0 : i32
    %cond3A_74 = arith.cmpi ne, %convert_element_type3A_72, %cond3A_73 : i32
    scf.if %cond3A_74 {
      %add3A_103 = arith.constant 704 : i32
      %add3A_104 = arith.addi %add3A, %add3A_103 : i32
      %mul3A_105 = arith.constant 128 : i32
      %mul3A_106 = arith.muli %add3A_104, %mul3A_105 : i32
      %min3A_107 = arith.constant 99872 : i32
      %min3A_108 = arith.minsi %mul3A_106, %min3A_107 : i32
      %dma_wait3A = arith.constant 1 : i32
      %dma_wait3A_109 = arith.constant 0 : i32
      %dma_wait3A_110 = tpu.memref_slice %arg4[%min3A_108, %dma_wait3A_109] : memref<100000x128xf32, #tpu.memory_space<hbm>> -> memref<128x128xf32, #tpu.memory_space<hbm>>
      %dma_wait3A_111 = arith.constant 0 : i32
      %dma_wait3A_112 = arith.constant 0 : i32
      %dma_wait3A_113 = arith.constant 0 : i32
      %dma_wait3A_114 = tpu.memref_slice %arg7[%arg1, %dma_wait3A_111, %dma_wait3A_112, %dma_wait3A_113] : memref<16x3x128x128xf32, #tpu.memory_space<vmem_shared>> -> memref<1x3x128x128xf32, #tpu.memory_space<vmem_shared>>
      %dma_wait3A_115 = tpu.memref_squeeze %dma_wait3A_114 : memref<1x3x128x128xf32, #tpu.memory_space<vmem_shared>> -> memref<3x128x128xf32, #tpu.memory_space<vmem_shared>>
      %dma_wait3A_116 = arith.constant 0 : i32
      %dma_wait3A_117 = arith.constant 0 : i32
      %dma_wait3A_118 = tpu.memref_slice %dma_wait3A_115[%dma_wait3A, %dma_wait3A_116, %dma_wait3A_117] : memref<3x128x128xf32, #tpu.memory_space<vmem_shared>> -> memref<1x128x128xf32, #tpu.memory_space<vmem_shared>>
      %dma_wait3A_119 = tpu.memref_squeeze %dma_wait3A_118 : memref<1x128x128xf32, #tpu.memory_space<vmem_shared>> -> memref<128x128xf32, #tpu.memory_space<vmem_shared>>
      tpu.wait_dma2 semaphore(%arg15 : memref<!tpu.dma_semaphore, #tpu.memory_space<semaphore_mem>>) src(%dma_wait3A_119 : memref<128x128xf32, #tpu.memory_space<vmem_shared>>) dst(%dma_wait3A_110 : memref<128x128xf32, #tpu.memory_space<hbm>>)
    } else {
    }
    %add3A_75 = arith.constant 736 : i32
    %add3A_76 = arith.addi %add3A, %add3A_75 : i32
    %lt3A_77 = arith.constant 782 : i32
    %lt3A_78 = arith.cmpi slt, %add3A_76, %lt3A_77 : i32
    %add3A_79 = arith.constant 832 : i32
    %add3A_80 = arith.addi %add3A, %add3A_79 : i32
    %lt3A_81 = arith.constant 782 : i32
    %lt3A_82 = arith.cmpi slt, %add3A_80, %lt3A_81 : i32
    %not3A_83 = arith.constant true
    %not3A_84 = arith.xori %lt3A_82, %not3A_83 : i1
    %and3A_85 = arith.andi %lt3A_78, %not3A_84 : i1
    %convert_element_type3A_86 = arith.extui %and3A_85 : i1 to i32
    %cond3A_87 = arith.constant 0 : i32
    %cond3A_88 = arith.cmpi ne, %convert_element_type3A_86, %cond3A_87 : i32
    scf.if %cond3A_88 {
      %add3A_103 = arith.constant 736 : i32
      %add3A_104 = arith.addi %add3A, %add3A_103 : i32
      %mul3A_105 = arith.constant 128 : i32
      %mul3A_106 = arith.muli %add3A_104, %mul3A_105 : i32
      %min3A_107 = arith.constant 99872 : i32
      %min3A_108 = arith.minsi %mul3A_106, %min3A_107 : i32
      %dma_wait3A = arith.constant 2 : i32
      %dma_wait3A_109 = arith.constant 0 : i32
      %dma_wait3A_110 = tpu.memref_slice %arg4[%min3A_108, %dma_wait3A_109] : memref<100000x128xf32, #tpu.memory_space<hbm>> -> memref<128x128xf32, #tpu.memory_space<hbm>>
      %dma_wait3A_111 = arith.constant 0 : i32
      %dma_wait3A_112 = arith.constant 0 : i32
      %dma_wait3A_113 = arith.constant 0 : i32
      %dma_wait3A_114 = tpu.memref_slice %arg7[%arg1, %dma_wait3A_111, %dma_wait3A_112, %dma_wait3A_113] : memref<16x3x128x128xf32, #tpu.memory_space<vmem_shared>> -> memref<1x3x128x128xf32, #tpu.memory_space<vmem_shared>>
      %dma_wait3A_115 = tpu.memref_squeeze %dma_wait3A_114 : memref<1x3x128x128xf32, #tpu.memory_space<vmem_shared>> -> memref<3x128x128xf32, #tpu.memory_space<vmem_shared>>
      %dma_wait3A_116 = arith.constant 0 : i32
      %dma_wait3A_117 = arith.constant 0 : i32
      %dma_wait3A_118 = tpu.memref_slice %dma_wait3A_115[%dma_wait3A, %dma_wait3A_116, %dma_wait3A_117] : memref<3x128x128xf32, #tpu.memory_space<vmem_shared>> -> memref<1x128x128xf32, #tpu.memory_space<vmem_shared>>
      %dma_wait3A_119 = tpu.memref_squeeze %dma_wait3A_118 : memref<1x128x128xf32, #tpu.memory_space<vmem_shared>> -> memref<128x128xf32, #tpu.memory_space<vmem_shared>>
      tpu.wait_dma2 semaphore(%arg16 : memref<!tpu.dma_semaphore, #tpu.memory_space<semaphore_mem>>) src(%dma_wait3A_119 : memref<128x128xf32, #tpu.memory_space<vmem_shared>>) dst(%dma_wait3A_110 : memref<128x128xf32, #tpu.memory_space<hbm>>)
    } else {
    }
    %add3A_89 = arith.constant 768 : i32
    %add3A_90 = arith.addi %add3A, %add3A_89 : i32
    %lt3A_91 = arith.constant 782 : i32
    %lt3A_92 = arith.cmpi slt, %add3A_90, %lt3A_91 : i32
    %add3A_93 = arith.constant 864 : i32
    %add3A_94 = arith.addi %add3A, %add3A_93 : i32
    %lt3A_95 = arith.constant 782 : i32
    %lt3A_96 = arith.cmpi slt, %add3A_94, %lt3A_95 : i32
    %not3A_97 = arith.constant true
    %not3A_98 = arith.xori %lt3A_96, %not3A_97 : i1
    %and3A_99 = arith.andi %lt3A_92, %not3A_98 : i1
    %convert_element_type3A_100 = arith.extui %and3A_99 : i1 to i32
    %cond3A_101 = arith.constant 0 : i32
    %cond3A_102 = arith.cmpi ne, %convert_element_type3A_100, %cond3A_101 : i32
    scf.if %cond3A_102 {
      %add3A_103 = arith.constant 768 : i32
      %add3A_104 = arith.addi %add3A, %add3A_103 : i32
      %mul3A_105 = arith.constant 128 : i32
      %mul3A_106 = arith.muli %add3A_104, %mul3A_105 : i32
      %min3A_107 = arith.constant 99872 : i32
      %min3A_108 = arith.minsi %mul3A_106, %min3A_107 : i32
      %dma_wait3A = arith.constant 0 : i32
      %dma_wait3A_109 = arith.constant 0 : i32
      %dma_wait3A_110 = tpu.memref_slice %arg4[%min3A_108, %dma_wait3A_109] : memref<100000x128xf32, #tpu.memory_space<hbm>> -> memref<128x128xf32, #tpu.memory_space<hbm>>
      %dma_wait3A_111 = arith.constant 0 : i32
      %dma_wait3A_112 = arith.constant 0 : i32
      %dma_wait3A_113 = arith.constant 0 : i32
      %dma_wait3A_114 = tpu.memref_slice %arg7[%arg1, %dma_wait3A_111, %dma_wait3A_112, %dma_wait3A_113] : memref<16x3x128x128xf32, #tpu.memory_space<vmem_shared>> -> memref<1x3x128x128xf32, #tpu.memory_space<vmem_shared>>
      %dma_wait3A_115 = tpu.memref_squeeze %dma_wait3A_114 : memref<1x3x128x128xf32, #tpu.memory_space<vmem_shared>> -> memref<3x128x128xf32, #tpu.memory_space<vmem_shared>>
      %dma_wait3A_116 = arith.constant 0 : i32
      %dma_wait3A_117 = arith.constant 0 : i32
      %dma_wait3A_118 = tpu.memref_slice %dma_wait3A_115[%dma_wait3A, %dma_wait3A_116, %dma_wait3A_117] : memref<3x128x128xf32, #tpu.memory_space<vmem_shared>> -> memref<1x128x128xf32, #tpu.memory_space<vmem_shared>>
      %dma_wait3A_119 = tpu.memref_squeeze %dma_wait3A_118 : memref<1x128x128xf32, #tpu.memory_space<vmem_shared>> -> memref<128x128xf32, #tpu.memory_space<vmem_shared>>
      tpu.wait_dma2 semaphore(%arg14 : memref<!tpu.dma_semaphore, #tpu.memory_space<semaphore_mem>>) src(%dma_wait3A_119 : memref<128x128xf32, #tpu.memory_space<vmem_shared>>) dst(%dma_wait3A_110 : memref<128x128xf32, #tpu.memory_space<hbm>>)
    } else {
    }
    return
  }
}

</mosaic_0001>

<sc_bundles>
// kernel: kernel.3.cloned.1.call-start
scs
__scs_entry_jumppad:
0x0: {  	(pc) =	sbr.rel $0x88, $3  }
0x1: {  	(tag) =	ssettag $0x0;
	lr =	simm.s32 $0x1  }
0x2: {  	[smem:$0x3F9F] =	sst lr;
	_ =	strace $0xD0000000  }
0x3: {  	_ = 	snop  }
0x4: {  	_ = 	snop  }
0x5: {  	_ = 	snop  }
0x6: {  	_ = 	snop  }
0x7: {  	_ = 	snop  }
__scs_overlays_trampoline_lowered:
0x8: {  	[smem:$0x3FAE] =	sst s0  }
0x9: {  	[smem:$0x3FAF] =	sst s1  }
0xa: {  	[smem:$0x3FB0] =	sst s2  }
0xb: {  	[smem:$0x3FB1] =	sst s3  }
0xc: {  	[smem:$0x3FB2] =	sst s4  }
0xd: {  	[smem:$0x3FB3] =	sst s5  }
0xe: {  	[smem:$0x3FB4] =	sst s6  }
0xf: {  	[smem:$0x3FB5] =	sst s7  }
0x10: {  	[smem:$0x3FB6] =	sst s8  }
0x11: {  	[smem:$0x3FB7] =	sst s9;
	s0 =	simm.s32 @!p0 $0x0  }
0x12: {  	s1 =	sld [smem:$0x3F9D];
	s0 =	simm.s32 @p0 $0x1  }
0x13: {  	[smem:$0x3FB8] =	sst s0;
	s0 =	simm.s32 @!p1 $0x0  }
0x14: {  	s2 =	sld [smem:$0x3F9C];
	s0 =	simm.s32 @p1 $0x1  }
0x15: {  	[smem:$0x3FB9] =	sst s0;
	s0 =	simm.s32 @!p2 $0x0  }
0x16: {  	s3 =	sld [smem:$0x3FDB];
	s0 =	simm.s32 @p2 $0x1  }
0x17: {  	s4 =	simm.s32 $0x1BF5;
	[smem:$0x3FBB] =	sst s0  }
0x18: {  	s0 =	sld [smem:$0x3F9E];
	_ =	swait.ge [sflag:s4], $0x0  }
0x19: {  	s7 =	sld [smem:$0x3F9F]  }
0x1a: {  	s8 =	sadd.s32 $0xFFFFE003, lr  }
0x1b: {  	s9 =	sadd.s32 $0xFFFFFEF7, lr;
	s5 =	simm.s32 $0xFFFFFFFF;
	p2 =	slt.u32 s8, $0xFFFFF086  }
0x1c: {  	p1 =	slt.u32 s9, $0xF7A;
	s5 =	simm.s32 @!p2 $0x0  }
0x1d: {  	s5 =	simm.s32 @p1 $0x1;
	p0 =	seq.s32 s7, s2  }
0x1e: {  	s7 =	smul.u32 @!p0 $0xF7A, s2;
	p2 =	seq.s32 @!p0 s5, $0x0  }
0x1f: {  	s9 =	smul.u32 $0xF7A, s1;
	s8 =	simm.s32 @!p0 $0x1BF5;
	p2 =	por !p2, p0  }
0x20: {  	[sflag:s8] =	ssyncset.s32 @!p0 $0xFFFFF086;
	s6 =	sadd.s32 @!p0 s3, s7;
	s7 =	simm.s32 @!p0 $0x108  }
0x21: {  	s3 =	sadd.s32 s3, s9;
	s6 =	sadd.s32 @!p0 $0x88, s6;
	s7 =	simm.s32 @p2 $0x1082  }
0x22: {  	[simem:s7], [sflag:s8] =	dma.local @!p0 [hbm:s6], $0xF7A  }
0x23: {  	s9 =	sor.u32 $0xD0000000, s2;
	s6 =	simm.s32 $0x108;
	_ =	swait.ge @!p0 [sflag:s8], $0x0  }
0x24: {  	s3 =	sadd.s32 $0x88, s3;
	s6 =	simm.s32 @!p1 $0x1082;
	[sflag:s4] =	ssyncset.s32 $0xFFFFF086  }
0x25: {  	[simem:s6], [sflag:s4] =	dma.local [hbm:s3], $0xF7A  }
0x26: {  	[smem:$0x3F9F] =	sst s1;
	(tag) =	ssettag s2;
	_ =	strace s9  }
0x27: {  	s1 =	sld [smem:$0x3FAF]  }
0x28: {  	s2 =	sld [smem:$0x3FB0]  }
0x29: {  	s4 =	sld [smem:$0x3FB2]  }
0x2a: {  	p0 =	seq.s32 s5, $0x0;
	s5 =	sld [smem:$0x3FB3]  }
0x2b: {  	s6 =	sld [smem:$0x3FB4]  }
0x2c: {  	s7 =	sld [smem:$0x3FB5]  }
0x2d: {  	s3 =	simm.s32 $0x108;
	s8 =	sld [smem:$0x3FB6]  }
0x2e: {  	s3 =	simm.s32 @!p0 $0x1082;
	s9 =	sld [smem:$0x3FB7]  }
0x2f: {  	lr =	sadd.s32 s0, s3;
	s0 =	sld [smem:$0x3FAE]  }
0x30: {  	s3 =	sld [smem:$0x3FB1]  }
0x31: {  	[smem:$0x3FBA] =	sst s10  }
0x32: {  	s10 =	sld [smem:$0x3FB8];
	_ =	sdelay $0x3  }
0x33: {  	p0 =	seq.s32 s10, $0x1;
	s10 =	sld [smem:$0x3FBA];
	_ =	sdelay $0x3  }
0x34: {  	[smem:$0x3FBA] =	sst s10  }
0x35: {  	s10 =	sld [smem:$0x3FB9];
	_ =	sdelay $0x3  }
0x36: {  	p1 =	seq.s32 s10, $0x1;
	s10 =	sld [smem:$0x3FBA];
	_ =	sdelay $0x3  }
0x37: {  	[smem:$0x3FBA] =	sst s10  }
0x38: {  	s10 =	sld [smem:$0x3FBB]  }
0x39: {  	_ = 	snop;
	(pc) =	sbr.ind lr, $3  }
0x3a: {  	_ = 	snop  }
0x3b: {  	_ = 	snop  }
0x3c: {  	p2 =	seq.s32 s10, $0x1;
	s10 =	sld [smem:$0x3FBA]  }
0x3d: {  	_ =	shalt  }
0x3e: {  	_ =	shalt  }
0x3f: {  	_ =	shalt  }
0x40: {  	_ =	shalt  }
0x41: {  	_ =	shalt  }
0x42: {  	_ =	shalt  }
0x43: {  	_ =	shalt  }
0x44: {  	_ =	shalt  }
0x45: {  	_ =	shalt  }
0x46: {  	_ =	shalt  }
0x47: {  	_ =	shalt  }
0x48: {  	_ =	shalt  }
0x49: {  	_ =	shalt  }
0x4a: {  	_ =	shalt  }
0x4b: {  	_ =	shalt  }
0x4c: {  	_ =	shalt  }
0x4d: {  	_ =	shalt  }
0x4e: {  	_ =	shalt  }
0x4f: {  	_ =	shalt  }
0x50: {  	_ =	shalt  }
0x51: {  	_ =	shalt  }
0x52: {  	_ =	shalt  }
0x53: {  	_ =	shalt  }
0x54: {  	_ =	shalt  }
0x55: {  	_ =	shalt  }
0x56: {  	_ =	shalt  }
0x57: {  	_ =	shalt  }
0x58: {  	_ =	shalt  }
0x59: {  	_ =	shalt  }
0x5a: {  	_ =	shalt  }
0x5b: {  	_ =	shalt  }
0x5c: {  	_ =	shalt  }
0x5d: {  	_ =	shalt  }
0x5e: {  	_ =	shalt  }
0x5f: {  	_ =	shalt  }
0x60: {  	_ =	shalt  }
0x61: {  	_ =	shalt  }
0x62: {  	_ =	shalt  }
0x63: {  	_ =	shalt  }
0x64: {  	_ =	shalt  }
0x65: {  	_ =	shalt  }
0x66: {  	_ =	shalt  }
0x67: {  	_ =	shalt  }
0x68: {  	_ =	shalt  }
0x69: {  	_ =	shalt  }
0x6a: {  	_ =	shalt  }
0x6b: {  	_ =	shalt  }
0x6c: {  	_ =	shalt  }
0x6d: {  	_ =	shalt  }
0x6e: {  	_ =	shalt  }
0x6f: {  	_ =	shalt  }
0x70: {  	_ =	shalt  }
0x71: {  	_ =	shalt  }
0x72: {  	_ =	shalt  }
0x73: {  	_ =	shalt  }
0x74: {  	_ =	shalt  }
0x75: {  	_ =	shalt  }
0x76: {  	_ =	shalt  }
0x77: {  	_ =	shalt  }
0x78: {  	_ =	shalt  }
0x79: {  	_ =	shalt  }
0x7a: {  	_ =	shalt  }
0x7b: {  	_ =	shalt  }
0x7c: {  	_ =	shalt  }
0x7d: {  	_ =	shalt  }
0x7e: {  	_ =	shalt  }
0x7f: {  	_ =	shalt  }
0x80: {  	_ =	shalt  }
0x81: {  	_ =	shalt  }
0x82: {  	_ =	shalt  }
0x83: {  	_ =	shalt  }
0x84: {  	_ =	shalt  }
0x85: {  	_ =	shalt  }
0x86: {  	_ =	shalt  }
0x87: {  	_ =	shalt  }
.Lfunc_end0:
.L_simem_size_0:
called_computation_lowered:
.L_overlay_start_0:
0x88: {  	s2 =	sld [smem:$0x3FD9]  }
0x89: {  	s3 =	sld [smem:$0x3FFE];
	_ =	sdelay $0x1  }
0x8a: {  	s1 =	srdreg.scid  }
0x8b: {  	s0 =	sand.u32 $0x1, s1  }
0x8c: {  	s18 =	sshll.u32 s0, $0xA;
	s2 =	sadd.s32 s3, s2  }
0x8d: {  	s2 =	sadd.s32 s2, s18  }
0x8e: {  	[smem:$0x3FC6] =	sst s2  }
0x8f: {  	_ = 	snop  }
0x90: {  	s2 =	sld [smem:$0x3FC9]  }
0x91: {  	s19 =	sld [smem:$0x3FC8]  }
0x92: {  	s4 =	sld [smem:$0x3FD0];
	(tm) =	ssettm $0x1  }
0x93: {  	s5 =	sld [smem:$0x3FFB];
	_ =	sdelay $0x3  }
0x94: {  	_ =	strace s5  }
0x95: {  	s5 =	sld [smem:$0x3FFC];
	_ =	sdelay $0x3  }
0x96: {  	_ =	strace s5  }
0x97: {  	s5 =	sld [smem:$0x3FFD];
	_ =	sdelay $0x3  }
0x98: {  	_ =	strace s5  }
0x99: {  	_ =	strace $0x8FFFFFFF  }
0x9a: {  	s20 =	sld [smem:$0x3FDB];
	_ =	sdelay $0x1  }
0x9b: {  	s6 =	simm.s32 $_scs_section_size  }
0x9c: {  	s7 =	simm.s32 $_size__tile_overlayer_lowered;
	s8 =	simm.s32 $_tile_overlayer_lowered  }
0x9d: {  	s23 =	simm.s32 $0x1BFF;
	s22 =	sshll.u32 s8, $0x1;
	s5 =	sadd.s32 s6, s20  }
0x9e: {  	s9 =	simm.s32 $0x0;
	s21 =	sshll.u32 s7, $0x1;
	s7 =	sadd.s32 s22, s5  }
0x9f: {  	[timem:s9], [sflag:s23] =	dma.local [hbm:s7], s21  }
0xa0: {  	_ =	swait.ge [sflag:s23], s21  }
0xa1: {  	s6 =	ssub.s32 $0x0, s21;
	[sflag:s23] =	ssyncset.done $0x0  }
0xa2: {  	[sflag:s23] =	ssyncadd.s32 s6;
	_ =	sdelay $0x1  }
0xa3: {  	s24 =	simm.s32 $0x1B8B  }
0xa4: {  	_ =	swait.ge [sflag:s24], $0x1  }
0xa5: {  	[sflag:s24] =	ssyncset.done $0x0  }
0xa6: {  	s25 =	simm.s32 $0x1B8E;
	[sflag:s24] =	ssyncadd.s32 $0xFFFFFFFF  }
0xa7: {  	s26 =	simm.s32 $execute0_lowered;
	[smem:$0x3FD2] =	sst s25  }
0xa8: {  	s6 =	sshll.u32 s26, $0x1;
	_ =	strace $0x80000046;
	[dreg:$0x1] =	wrdreg $0xFFFFFFFF  }
0xa9: {  	s28 =	simm.s32 $_size_execute0_lowered;
	s5 =	sadd.s32 s5, s6;
	[dreg:$0x0] =	wrdreg $0x0  }
0xaa: {  	s6 =	sshll.u32 s28, $0x1;
	[dreg:$0x2] =	wrdreg s5  }
0xab: {  	[dreg:$0x3] =	wrdreg s6  }
0xac: {  	[dreg:$0x4] =	wrdreg $0xC0  }
0xad: {  	_ =	task [dreg:s9], $0x5FFFF  }
0xae: {  	[dreg:$0x1] =	wrdreg $0xFFFFFFFF  }
0xaf: {  	[dreg:$0x0] =	wrdreg $0x60  }
0xb0: {  	[dreg:$0x2] =	wrdreg s2  }
0xb1: {  	[dreg:$0x3] =	wrdreg s19  }
0xb2: {  	[dreg:$0x4] =	wrdreg s4  }
0xb3: {  	[dreg:$0x5] =	wrdreg $0x4F00  }
0xb4: {  	[dreg:$0x6] =	wrdreg $0x0  }
0xb5: {  	[dreg:$0x7] =	wrdreg $0x9  }
0xb6: {  	_ =	task.clear_ibuf [dreg:s9], $0x8FFFF;
	_ =	strace $0x90000046  }
0xb7: {  	s29 =	simm.s32 $0x9;
	_ =	strace $0x80000048  }
0xb8: {  	_ =	swait.ge [sflag:s29], $0x1  }
0xb9: {  	[sflag:s29] =	ssyncadd.s32 $0xFFFFFFFF  }
0xba: {  	_ =	strace $0x90000048  }
0xbb: {  	_ =	sfence  }
0xbc: {  	s30 =	sld [smem:$0x0];
	_ =	sdelay $0x2  }
0xbd: {  	s31 =	sshll.u32 s1, $0xD;
	s1 =	sshrl.u32 s1, $0x2  }
0xbe: {  	s3 =	sand.u32 $0x4000, s31;
	s1 =	sadd.s32 s1, s30  }
0xbf: {  	s0 =	sor.u32 s3, s0;
	s1 =	sshll.u32 s1, $0x11  }
0xc0: {  	s0 =	sor.u32 s1, s0  }
0xc1: {  	s0 =	sadd.s32 $0x8F2B, s0  }
0xc2: {  	[sflag:s0] =	ssyncadd.remote.s32 $0x1  }
0xc3: {  	_ =	sfence.sel $0xFFFF  }
0xc4: {  	[dreg:$0x0] =	wrdreg $0xFFFFFFFF;
	(pc) =	sbr.abs _section_cstart, $3  }
0xc5: {  	[dreg:$0x1] =	wrdreg $0xFFFFFFFF  }
0xc6: {  	_ =	task.clear_ibuf [dreg:s9], $0x2FFFF;
	_ =	strace $0x9FFFFFFF  }
0xc7: {  	(tm) =	ssettm $0x7FFFFFFF  }
tec
execute0_lowered:
.L_overlay_start_1:
0x0: {  	(tag) =	ssettag $0x1  }
0x1: {  	s1 =	rddreg [dreg:$0x0]  }
0x2: {  	s2 =	rddreg [dreg:$0x1]  }
0x3: {  	s3 =	rddreg [dreg:$0x2]  }
0x4: {  	s9 =	rddreg [dreg:$0x3]  }
0x5: {  	s14 =	rddreg [dreg:$0x4]  }
0x6: {  	s0 =	rddreg [dreg:$0x5];
	s4 =	simm.s32 $0x0  }
0x7: {  	s6 =	srdreg.scid;
	s5 =	stileid.u32;
	s16 =	simm.s32 $0x370  }
0x8: {  	s17 =	simm.s32 $0x3F0;
	s18 =	simm.s32 $0x1;
	s21 =	simm.s32 $0x5  }
0x9: {  	s22 =	simm.s32 $0x6;
	s23 =	simm.s32 $0x0;
	[smem:$0x7FF] =	sst s4  }
0xa: {  	s12 =	sand.u32 $0x1, s6;
	s29 =	sshll.u32 s5, $0x1;
	s8 =	smul.u32 $0x30000, s5  }
0xb: {  	s15 =	sshll.u32 s5, $0x8;
	p0 =	sne.s32 s5, $0x0;
	s19 =	sshll.u32 s5, $0x6  }
0xc: {  	p1 =	slt.u32 s5, $0x7;
	p2 =	sgt.u32 s5, $0x6;
	s7 =	ssub.s32 $0x2, s12  }
0xd: {  	s13 =	sor.u32 s12, s29;
	_ =	strace $0x80000047;
	s12 =	sshll.u32 s12, $0x7  }
0xe: {  	s14 =	sshrl.u32 @!p0 s14, $0x3;
	s19 =	sor.u32 $0x1C04, s19;
	s30 =	sshrl.u32 s7, $0x1  }
.Ltmp0:
0xf: {  	s10 =	sshll.u32 s13, $0x4;
	s31 =	sshrl.u32 s8, $0x2;
	(pc) =	sbr.rel .LBB2_1-.Ltmp0, $4  }
0x10: {  	s12 =	sor.u32 s12, s15;
	s13 =	sor.u32 $0xA0, s13;
	s15 =	simm.s32 $0x2F0  }
0x11: {  	s11 =	ssub.s32 s7, s30;
	s6 =	sadd.s32 s1, s10;
	s20 =	sadd.s32 s31, s9  }
0x12: {  	s7 =	sadd.s32 $0x200, s6;
	s8 =	sadd.s32 $0x400, s6;
	s9 =	sadd.s32 $0x4000, s20  }
0x13: {  	s10 =	sadd.s32 $0x8000, s20;
	s11 =	smax.u32 s11, $0x1;
	s20 =	sshrl.u32 s20, $0x3  }
.LBB2_5:
0x14: {  	s24 =	simm.s32 @!p1 $0x4  }
0x15: {  	_ =	swait.ge @!p1 [sflag:s24], $0x800  }
0x16: {  	[sflag:s24] =	ssyncset.done @!p1 $0x0  }
0x17: {  	[sflag:s24] =	ssyncadd.s32 @!p1 $0xFFFFF800  }
0x18: {  	_ =	swait.ge [sflag:s21], $0x800  }
0x19: {  	[sflag:s21] =	ssyncset.done $0x0  }
0x1a: {  	s23 =	sadd.s32 $0x1, s23;
	[sflag:s21] =	ssyncadd.s32 $0xFFFFF800  }
0x1b: {  	p3 =	sne.s32 s23, s11;
	_ =	swait.ge [sflag:s22], $0x800  }
.Ltmp1:
0x1c: {  	[sflag:s22] =	ssyncset.done $0x0;
	(pc) =	sbr.rel @!p3 .LBB2_6-.Ltmp1, $4  }
0x1d: {  	s24 =	simm.s32 @!p2 $0x4;
	[sflag:s22] =	ssyncadd.s32 $0xFFFFF800  }
0x1e: {  	_ =	swait.ge @!p2 [sflag:s24], $0x800  }
0x1f: {  	[sflag:s24] =	ssyncset.done @!p2 $0x0  }
0x20: {  	[sflag:s24] =	ssyncadd.s32 @!p2 $0xFFFFF800  }
.LBB2_1:
0x21: {  	s24 =	simm.s32 @!p0 $0x1C07  }
0x22: {  	[spmem:s14], [sflag:s24] =	dma.local @!p0 [hbm:s2], $0x5E0  }
0x23: {  	s24 =	simm.s32 @!p0 $0x7  }
0x24: {  	_ =	swait.ge @!p0 [sflag:s24], $0x5E0  }
0x25: {  	[sflag:s24] =	ssyncset.done @!p0 $0x0  }
0x26: {  	[sflag:s24] =	ssyncadd.s32 @!p0 $0xFFFFFA20  }
0x27: {  	[bflag:$0x0] =	sbarrier.arrive $0xFFFF  }
0x28: {  	[tilespmem:s15], [sflag:$0x1] =	stream.linear.gather [hbm4b:s6+s4], $0x80, $0x38;
	[tilespmem:$0xC4F0] =	vst v63  }
.Ltmp2:
0x29: {  	_ = 	snop;
	(pc) =	sbr.rel .LBB2_2-.Ltmp2, $4  }
0x2a: {  	_ = 	snop  }
0x2b: {  	[tilespmem:s16], [sflag:$0x2] =	stream.linear.gather [hbm4b:s7+s4], $0x80, $0x38;
	[tilespmem:$0xC4F0] =	vst v63  }
0x2c: {  	s25 =	simm.s32 $0x0;
	s24 =	smov.u32 s13  }
0x2d: {  	[tilespmem:s17], [sflag:$0x3] =	stream.linear.gather [hbm4b:s8+s4], $0x80, $0x38;
	[tilespmem:$0xC4F0] =	vst v63  }
.LBB2_4:
0x2e: {  	s26 =	sadd.s32 $0xFFFFFFC0, s24  }
0x2f: {  	p4 =	sgt.u32 s26, $0x30D  }
0x30: {  	s26 =	sadd.s32 @!p4 s25, s12  }
0x31: {  	s26 =	sadd.s32 @!p4 $0x3000, s26  }
0x32: {  	s26 =	smin.u32 @!p4 s26, $0x18620  }
0x33: {  	s26 =	sshrl.u32 @!p4 s26, $0x3  }
0x34: {  	s28 =	simm.s32 @!p4 $0x0;
	s29 =	simm.s32 @!p4 $0x2F0;
	s26 =	sadd.s32 @!p4 s1, s26  }
0x35: {  	[tilespmem:s29], [sflag:$0x1] =	stream.linear.gather @!p4 [hbm4b:s26+s28], $0x80, $0x38;
	[tilespmem:$0xC4F0] =	vst v63  }
0x36: {  	s29 =	sadd.s32 $0xFFFFFF80, s24  }
0x37: {  	p4 =	sgt.u32 s29, $0x30D  }
0x38: {  	s26 =	simm.s32 @!p4 $0x2  }
0x39: {  	_ =	swait.ge @!p4 [sflag:s26], $0x80  }
0x3a: {  	p5 =	por !p3, p4;
	[sflag:s26] =	ssyncset.done @!p4 $0x0  }
0x3b: {  	s28 =	sadd.s32 @!p4 s25, s12;
	[sflag:s26] =	ssyncadd.s32 @!p4 $0xFFFFFF80;
	s26 =	simm.s32 @!p5 $0x5  }
0x3c: {  	s28 =	sadd.s32 @!p4 $0x1000, s28;
	_ =	swait.ge @!p5 [sflag:s26], $0x800  }
0x3d: {  	s30 =	sadd.s32 $0xFFFFFFE0, s24;
	s28 =	smin.u32 @!p4 s28, $0x18620;
	[sflag:s26] =	ssyncset.done @!p5 $0x0  }
0x3e: {  	[sflag:s26] =	ssyncadd.s32 @!p5 $0xFFFFF800;
	s26 =	sshll.u32 @!p4 s28, $0x4;
	s28 =	sshll.u32 @!p4 s5, $0x6  }
0x3f: {  	s29 =	sshrl.u32 @!p4 s9, $0x3;
	s26 =	sadd.s32 @!p4 s3, s26;
	s28 =	sor.u32 @!p4 $0x1C05, s28  }
0x40: {  	[hbm:s26], [sflag:s28] =	dma.local @!p4 [spmem:s29], $0x800  }
0x41: {  	p4 =	sgt.u32 s30, $0x30D  }
0x42: {  	s26 =	sadd.s32 @!p4 s25, s12  }
0x43: {  	s26 =	sadd.s32 @!p4 $0x4000, s26  }
0x44: {  	s26 =	smin.u32 @!p4 s26, $0x18620  }
0x45: {  	s31 =	sadd.s32 $0xFFFFFFA0, s24;
	s26 =	sshrl.u32 @!p4 s26, $0x3  }
0x46: {  	s28 =	simm.s32 @!p4 $0x0;
	s29 =	simm.s32 @!p4 $0x370;
	s26 =	sadd.s32 @!p4 s1, s26  }
0x47: {  	[tilespmem:s29], [sflag:$0x2] =	stream.linear.gather @!p4 [hbm4b:s26+s28], $0x80, $0x38;
	[tilespmem:$0xC4F0] =	vst v63  }
0x48: {  	p4 =	sgt.u32 s31, $0x30D  }
0x49: {  	s26 =	simm.s32 @!p4 $0x3  }
0x4a: {  	_ =	swait.ge @!p4 [sflag:s26], $0x80  }
0x4b: {  	p3 =	por !p3, p4;
	[sflag:s26] =	ssyncset.done @!p4 $0x0  }
0x4c: {  	s28 =	sadd.s32 @!p4 s25, s12;
	[sflag:s26] =	ssyncadd.s32 @!p4 $0xFFFFFF80;
	s26 =	simm.s32 @!p3 $0x6  }
0x4d: {  	s28 =	sadd.s32 @!p4 $0x2000, s28;
	_ =	swait.ge @!p3 [sflag:s26], $0x800  }
0x4e: {  	s29 =	sshrl.u32 @!p4 s10, $0x3;
	s28 =	smin.u32 @!p4 s28, $0x18620;
	[sflag:s26] =	ssyncset.done @!p3 $0x0  }
0x4f: {  	[sflag:s26] =	ssyncadd.s32 @!p3 $0xFFFFF800;
	s26 =	sshll.u32 @!p4 s28, $0x4;
	s28 =	sshll.u32 @!p4 s5, $0x6  }
0x50: {  	p3 =	sgt.u32 s24, $0x30D;
	s26 =	sadd.s32 @!p4 s3, s26;
	s28 =	sor.u32 @!p4 $0x1C06, s28  }
0x51: {  	[hbm:s26], [sflag:s28] =	dma.local @!p4 [spmem:s29], $0x800  }
0x52: {  	s26 =	sadd.s32 @!p3 s25, s12  }
0x53: {  	s26 =	sadd.s32 @!p3 $0x5000, s26  }
0x54: {  	s26 =	smin.u32 @!p3 s26, $0x18620  }
0x55: {  	s28 =	simm.s32 @!p3 $0x0;
	s26 =	sshrl.u32 @!p3 s26, $0x3  }
0x56: {  	s29 =	simm.s32 @!p3 $0x3F0;
	s25 =	sadd.s32 $0x3000, s25;
	s26 =	sadd.s32 @!p3 s1, s26  }
0x57: {  	[tilespmem:s29], [sflag:$0x3] =	stream.linear.gather @!p3 [hbm4b:s26+s28], $0x80, $0x38;
	[tilespmem:$0xC4F0] =	vst v63  }
0x58: {  	p3 =	sne.s32 s25, $0x1B000  }
.Ltmp3:
0x59: {  	_ = 	snop;
	(pc) =	sbr.rel @!p3 .LBB2_5-.Ltmp3, $2  }
0x5a: {  	_ =	sdelay $0x2  }
0x5b: {  	s24 =	sadd.s32 $0x60, s24  }
.LBB2_2:
0x5c: {  	s26 =	sadd.s32 $0xFFFFFF60, s24  }
0x5d: {  	p4 =	sgt.u32 s26, $0x30D  }
.Ltmp4:
0x5e: {  	_ = 	snop;
	(pc) =	sbr.rel @p4 .LBB2_4-.Ltmp4, $2  }
0x5f: {  	_ =	sdelay $0x2  }
0x60: {  	p3 =	sne.s32 s25, $0x0  }
0x61: {  	_ =	swait.ge [sflag:s18], $0x80  }
0x62: {  	p4 =	seq.s32 s25, $0x0;
	[sflag:s18] =	ssyncset.done $0x0  }
0x63: {  	s26 =	simm.s32 @!p4 $0x4;
	[sflag:s18] =	ssyncadd.s32 $0xFFFFFF80  }
0x64: {  	_ =	swait.ge @!p4 [sflag:s26], $0x800  }
.Ltmp5:
0x65: {  	s31 =	sadd.s32 s25, s12;
	[sflag:s26] =	ssyncset.done @!p4 $0x0;
	(pc) =	sbr.rel .LBB2_4-.Ltmp5, $4  }
0x66: {  	[sflag:s26] =	ssyncadd.s32 @!p4 $0xFFFFF800;
	s26 =	smin.u32 s31, $0x18620  }
0x67: {  	s26 =	sshll.u32 s26, $0x4  }
0x68: {  	s26 =	sadd.s32 s3, s26  }
0x69: {  	[hbm:s26], [sflag:s19] =	dma.local [spmem:s20], $0x800  }
.LBB2_6:
0x6a: {  	_ =	sfence.sel $0x180000  }
0x6b: {  	[bflag:$0x0] =	sbarrier.arrive $0xFFFF  }
0x6c: {  	_ =	strace $0x90000047  }
0x6d: {  	s0 =	sadd.s32 @!p0 $0x100000, s0;
	[bflag:$0x2] =	sbarrier.arrive $0xFFFF  }
0x6e: {  	[sflag:s0] =	ssyncadd.tile.s32 @!p0 $0x1;
	_ =	shalt  }
.Lfunc_end2:
_tile_overlayer_lowered:
.L_overlay_start_2:
0x6f: {  	(tag) =	ssettag $0x2  }
0x70: {  	s0 =	rddreg [dreg:$0x0];
	s2 =	stileid.u32  }
0x71: {  	s1 =	rddreg [dreg:$0x1];
	p0 =	sne.s32 s2, $0x0  }
0x72: {  	s3 =	rddreg [dreg:$0x2];
	[bflag:$0x3] =	sbarrier.arrive $0xFFFF;
	s2 =	simm.s32 @!p0 $0x1C07  }
0x73: {  	[timem:s3], [sflag:s2] =	dma.local @!p0 [hbm:s0], s1  }
0x74: {  	s0 =	simm.s32 @!p0 $0x7  }
0x75: {  	_ =	swait.ge @!p0 [sflag:s0], s1  }
0x76: {  	s1 =	ssub.s32 @!p0 $0x0, s1;
	[sflag:s0] =	ssyncset.done @!p0 $0x0  }
0x77: {  	[sflag:s0] =	ssyncadd.s32 @!p0 s1  }
0x78: {  	[bflag:$0x3] =	sbarrier.arrive $0xFFFF  }
0x79: {  	_ =	shalt  }

</sc_bundles>
